<compile_context>
chip_gen: v7x
topology: tpu7x:2x2x1
jax: 0.10.2.dev20260603
libtpu: 0.0.44.dev20260713+nightly
codegen_flags: <defaults>
</compile_context>

<pallas_src>
import functools

import jax
import jax.numpy as jnp
from jax import lax
from jax.experimental import pallas as pl
from jax.experimental.pallas import tpu as pltpu
from jax.experimental.pallas import tpu_sc as plsc

_B, _CIN, _COUT, _D = 64, 256, 128, 1024
_NC, _NS, _L = 2, 16, 16
_NW = _NC * _NS
_BPW = _B // _NW
_CH = 16
_CPB = _COUT // _CH
_NCHUNK = _BPW * _CPB
_NBUF = 7

_mesh = plsc.VectorSubcoreMesh(core_axis_name="c", subcore_axis_name="s")


@functools.partial(
    pl.kernel,
    mesh=_mesh,
    out_type=jax.ShapeDtypeStruct((_B, _COUT, _D), jnp.float32),
    scratch_types=[
        pltpu.VMEM((_COUT,), jnp.int32),
        pltpu.VMEM((_NBUF * _CH, _D), jnp.float32),
        pltpu.SemaphoreType.DMA((_NBUF,)),
        pltpu.SemaphoreType.DMA((_NBUF,)),
    ],
)
def _gather(x_hbm, idx_hbm, out_hbm, tab_v, ring_v, gsem, ssem):
    wid = lax.axis_index("s") * _NC + lax.axis_index("c")
    b0 = wid * _BPW
    pltpu.sync_copy(idx_hbm, tab_v)

    def _slot(ci):
        return lax.rem(ci, _NBUF)

    def _bj(ci):
        bi = ci // _CPB
        return b0 + bi, (ci - bi * _CPB) * _CH

    def _gather_copy(ci):
        p = _slot(ci)
        b, j0 = _bj(ci)
        return pltpu.make_async_copy(
            x_hbm.at[b].at[tab_v.at[pl.ds(j0, _CH)]],
            ring_v.at[pl.ds(p * _CH, _CH)],
            gsem.at[p],
        )

    def _scatter_copy(ci):
        p = _slot(ci)
        b, j0 = _bj(ci)
        return pltpu.make_async_copy(
            ring_v.at[pl.ds(p * _CH, _CH)],
            out_hbm.at[b].at[pl.ds(j0, _CH)],
            ssem.at[p],
        )

    def prime(ci, carry):
        _gather_copy(ci).start()
        return carry

    lax.fori_loop(0, _NBUF, prime, 0)

    def body(ci, carry):
        _gather_copy(ci).wait()
        _scatter_copy(ci).start()

        @pl.when(ci + _NBUF < _NCHUNK)
        def _():
            _scatter_copy(ci).wait()
            _gather_copy(ci + _NBUF).start()

        return carry

    lax.fori_loop(0, _NCHUNK, body, 0)

    def drain(ci, carry):
        _scatter_copy(ci).wait()
        return carry

    lax.fori_loop(_NCHUNK - _NBUF, _NCHUNK, drain, 0)


def kernel(x, indices):
    return _gather(x, indices)

# --- scband reference (transcript-rebuilt; emitter-appended) ---
"""Pipeline reference for scband-connector-23313082483627 (READ-ONLY COPY).

The authoritative reference and input builder live on the scoring server;
editing this copy changes nothing except your own understanding.
"""

import jax, jax.numpy as jnp
import numpy as np


def setup_inputs(seed: int = 0) -> dict:
    key = jax.random.key(seed)
    x = jax.random.normal(key, (64, 256, 1024), dtype=jnp.float32)
    # Connector.__init__ computes self.indices = matches between output_semantics
    # (identity catalogue of 256 channels) and input_semantics (the 128 odd channels).
    # filter(None, ...) in the original drops index 0, which is why channel 0 is excluded.
    indices = jnp.arange(1, 256, 2, dtype=jnp.int32)  # 128 selected channels
    return {"x": x, "indices": indices}


def reference(x, indices):
    # forward: return x[:, self.indices, :] -- a channel-reordering gather
    return jnp.take(x, indices, axis=1)

if __name__ == "__main__":
    import jax
    _d = setup_inputs()
    print(jax.jit(kernel)(*tuple(_d.values())))

</pallas_src>

<mosaic_0001>
#map = affine_map<(d0, d1) -> (0, 0, 0)>
#map1 = affine_map<(d0, d1) -> (0)>
module attributes {stable_mosaic.version = 14 : i64} {
  func.func @_gather(%arg0: i32, %arg1: i32, %arg2: memref<64x256x1024xf32, #tpu.memory_space<hbm>>, %arg3: memref<128xi32, #tpu.memory_space<hbm>>, %arg4: memref<64x128x1024xf32, #tpu.memory_space<hbm>>, %arg5: memref<128xi32, #tpu.memory_space<vmem>>, %arg6: memref<112x1024xf32, #tpu.memory_space<vmem>>, %arg7: memref<7x!tpu.dma_semaphore, #tpu.memory_space<semaphore_mem>>, %arg8: memref<7x!tpu.dma_semaphore, #tpu.memory_space<semaphore_mem>>) attributes {dimension_semantics = [#tpu.dimension_semantics<core_parallel>, #tpu.dimension_semantics<subcore_parallel>], iteration_bounds = array<i64: 2, 16>, scalar_prefetch = 0 : i64, scratch_operands = 4 : i64, tpu.core_type = #tpu.core_type<sc_vector_subcore>, window_params = [{transform_indices = #map}, {transform_indices = #map1}, {transform_indices = #map}]} {
    %mul3A = arith.constant 2 : i32
    %mul3A_0 = arith.muli %arg1, %mul3A : i32
    %add3A = arith.addi %mul3A_0, %arg0 : i32
    %mul3A_1 = arith.constant 2 : i32
    %mul3A_2 = arith.muli %add3A, %mul3A_1 : i32
    "tpu.region"() ({
      %run_scoped3A = tpu.sem_alloc : memref<!tpu.dma_semaphore, #tpu.memory_space<semaphore_mem>>
      tpu.enqueue_dma source(%arg3 : memref<128xi32, #tpu.memory_space<hbm>>) target(%arg5 : memref<128xi32, #tpu.memory_space<vmem>>) target_semaphore(%run_scoped3A : memref<!tpu.dma_semaphore, #tpu.memory_space<semaphore_mem>>)
      tpu.wait_dma2 semaphore(%run_scoped3A : memref<!tpu.dma_semaphore, #tpu.memory_space<semaphore_mem>>) src(%arg3 : memref<128xi32, #tpu.memory_space<hbm>>) dst(%arg5 : memref<128xi32, #tpu.memory_space<vmem>>)
      tpu.yield
    }) : () -> ()
    %scan3A = arith.constant 0 : i32
    %scan3A_3 = arith.constant 0 : i32
    %scan3A_4 = arith.constant 7 : i32
    %scan3A_5 = arith.addi %scan3A_3, %scan3A_4 : i32
    %scan3A_6 = arith.constant 1 : i32
    scf.for %scan3A_20 = %scan3A_3 to %scan3A_5 step %scan3A_6  : i32 {
      %rem3A = arith.constant 7 : i32
      %rem3A_21 = arith.remsi %scan3A_20, %rem3A : i32
      %jit3A = arith.constant 8 : i32
      %div3A = arith.divsi %scan3A_20, %jit3A : i32
      %sign3A = arith.constant 0 : i32
      %sign3A_22 = arith.cmpi sgt, %scan3A_20, %sign3A : i32
      %sign3A_23 = arith.extui %sign3A_22 : i1 to i32
      %sign3A_24 = arith.constant 0 : i32
      %sign3A_25 = arith.cmpi slt, %scan3A_20, %sign3A_24 : i32
      %sign3A_26 = arith.extui %sign3A_25 : i1 to i32
      %sign3A_27 = arith.subi %sign3A_23, %sign3A_26 : i32
      %sign3A_28 = arith.constant 0 : i32
      %sign3A_29 = arith.cmpi sgt, %jit3A, %sign3A_28 : i32
      %sign3A_30 = arith.extui %sign3A_29 : i1 to i32
      %sign3A_31 = arith.constant 0 : i32
      %sign3A_32 = arith.cmpi slt, %jit3A, %sign3A_31 : i32
      %sign3A_33 = arith.extui %sign3A_32 : i1 to i32
      %sign3A_34 = arith.subi %sign3A_30, %sign3A_33 : i32
      %ne3A = arith.cmpi ne, %sign3A_27, %sign3A_34 : i32
      %rem3A_35 = arith.remsi %scan3A_20, %jit3A : i32
      %ne3A_36 = arith.constant 0 : i32
      %ne3A_37 = arith.cmpi ne, %rem3A_35, %ne3A_36 : i32
      %and3A = arith.andi %ne3A, %ne3A_37 : i1
      %sub3A = arith.constant 1 : i32
      %sub3A_38 = arith.subi %div3A, %sub3A : i32
      %select_n3A = arith.select %and3A, %sub3A_38, %div3A : i32
      %add3A_39 = arith.addi %mul3A_2, %select_n3A : i32
      %mul3A_40 = arith.constant 8 : i32
      %mul3A_41 = arith.muli %select_n3A, %mul3A_40 : i32
      %sub3A_42 = arith.subi %scan3A_20, %mul3A_41 : i32
      %mul3A_43 = arith.constant 16 : i32
      %mul3A_44 = arith.muli %sub3A_42, %mul3A_43 : i32
      %mul3A_45 = arith.constant 16 : i32
      %mul3A_46 = arith.muli %rem3A_21, %mul3A_45 : i32
      %dma_start3A = arith.constant 0 : i32
      %dma_start3A_47 = tpu.memref_slice %arg6[%mul3A_46, %dma_start3A] : memref<112x1024xf32, #tpu.memory_space<vmem>> -> memref<16x1024xf32, #tpu.memory_space<vmem>>
      %dma_start3A_48 = tpu.memref_slice %arg5[%mul3A_44] : memref<128xi32, #tpu.memory_space<vmem>> -> memref<16xi32, #tpu.memory_space<vmem>>
      %dma_start3A_49 = arith.constant 0 : i32
      %dma_start3A_50 = arith.constant 0 : i32
      %dma_start3A_51 = tpu.memref_slice %arg2[%add3A_39, %dma_start3A_49, %dma_start3A_50] : memref<64x256x1024xf32, #tpu.memory_space<hbm>> -> memref<1x256x1024xf32, #tpu.memory_space<hbm>>
      %dma_start3A_52 = tpu.memref_squeeze %dma_start3A_51 : memref<1x256x1024xf32, #tpu.memory_space<hbm>> -> memref<256x1024xf32, #tpu.memory_space<hbm>>
      %dma_start3A_53 = arith.constant 0 : i32
      %dma_start3A_54 = arith.constant 0 : i32
      %dma_start3A_55 = tpu.memref_slice %dma_start3A_52[%dma_start3A_53, %dma_start3A_54] : memref<256x1024xf32, #tpu.memory_space<hbm>> -> memref<256x1024xf32, #tpu.memory_space<hbm>>
      %dma_start3A_56 = tpu.memref_slice %arg7[%rem3A_21] : memref<7x!tpu.dma_semaphore, #tpu.memory_space<semaphore_mem>> -> memref<1x!tpu.dma_semaphore, #tpu.memory_space<semaphore_mem>>
      %dma_start3A_57 = tpu.memref_squeeze %dma_start3A_56 : memref<1x!tpu.dma_semaphore, #tpu.memory_space<semaphore_mem>> -> memref<!tpu.dma_semaphore, #tpu.memory_space<semaphore_mem>>
      tpu.enqueue_indirect_dma source(%dma_start3A_55 : memref<256x1024xf32, #tpu.memory_space<hbm>>) target(%dma_start3A_47 : memref<16x1024xf32, #tpu.memory_space<vmem>>) offsets(%dma_start3A_48 : memref<16xi32, #tpu.memory_space<vmem>>) semaphore(%dma_start3A_57 : memref<!tpu.dma_semaphore, #tpu.memory_space<semaphore_mem>>)
    }
    %scan3A_7 = arith.constant 7 : i32
    %scan3A_8 = arith.constant 0 : i32
    %scan3A_9 = arith.constant 0 : i32
    %scan3A_10 = arith.constant 16 : i32
    %scan3A_11 = arith.addi %scan3A_9, %scan3A_10 : i32
    %scan3A_12 = arith.constant 1 : i32
    scf.for %scan3A_20 = %scan3A_9 to %scan3A_11 step %scan3A_12  : i32 {
      %rem3A = arith.constant 7 : i32
      %rem3A_21 = arith.remsi %scan3A_20, %rem3A : i32
      %jit3A = arith.constant 8 : i32
      %div3A = arith.divsi %scan3A_20, %jit3A : i32
      %sign3A = arith.constant 0 : i32
      %sign3A_22 = arith.cmpi sgt, %scan3A_20, %sign3A : i32
      %sign3A_23 = arith.extui %sign3A_22 : i1 to i32
      %sign3A_24 = arith.constant 0 : i32
      %sign3A_25 = arith.cmpi slt, %scan3A_20, %sign3A_24 : i32
      %sign3A_26 = arith.extui %sign3A_25 : i1 to i32
      %sign3A_27 = arith.subi %sign3A_23, %sign3A_26 : i32
      %sign3A_28 = arith.constant 0 : i32
      %sign3A_29 = arith.cmpi sgt, %jit3A, %sign3A_28 : i32
      %sign3A_30 = arith.extui %sign3A_29 : i1 to i32
      %sign3A_31 = arith.constant 0 : i32
      %sign3A_32 = arith.cmpi slt, %jit3A, %sign3A_31 : i32
      %sign3A_33 = arith.extui %sign3A_32 : i1 to i32
      %sign3A_34 = arith.subi %sign3A_30, %sign3A_33 : i32
      %ne3A = arith.cmpi ne, %sign3A_27, %sign3A_34 : i32
      %rem3A_35 = arith.remsi %scan3A_20, %jit3A : i32
      %ne3A_36 = arith.constant 0 : i32
      %ne3A_37 = arith.cmpi ne, %rem3A_35, %ne3A_36 : i32
      %and3A = arith.andi %ne3A, %ne3A_37 : i1
      %sub3A = arith.constant 1 : i32
      %sub3A_38 = arith.subi %div3A, %sub3A : i32
      %select_n3A = arith.select %and3A, %sub3A_38, %div3A : i32
      %add3A_39 = arith.addi %mul3A_2, %select_n3A : i32
      %mul3A_40 = arith.constant 8 : i32
      %mul3A_41 = arith.muli %select_n3A, %mul3A_40 : i32
      %sub3A_42 = arith.subi %scan3A_20, %mul3A_41 : i32
      %mul3A_43 = arith.constant 16 : i32
      %mul3A_44 = arith.muli %sub3A_42, %mul3A_43 : i32
      %mul3A_45 = arith.constant 16 : i32
      %mul3A_46 = arith.muli %rem3A_21, %mul3A_45 : i32
      %dma_wait3A = arith.constant 0 : i32
      %dma_wait3A_47 = tpu.memref_slice %arg6[%mul3A_46, %dma_wait3A] : memref<112x1024xf32, #tpu.memory_space<vmem>> -> memref<16x1024xf32, #tpu.memory_space<vmem>>
      %dma_wait3A_48 = tpu.memref_slice %arg5[%mul3A_44] : memref<128xi32, #tpu.memory_space<vmem>> -> memref<16xi32, #tpu.memory_space<vmem>>
      %dma_wait3A_49 = arith.constant 0 : i32
      %dma_wait3A_50 = arith.constant 0 : i32
      %dma_wait3A_51 = tpu.memref_slice %arg2[%add3A_39, %dma_wait3A_49, %dma_wait3A_50] : memref<64x256x1024xf32, #tpu.memory_space<hbm>> -> memref<1x256x1024xf32, #tpu.memory_space<hbm>>
      %dma_wait3A_52 = tpu.memref_squeeze %dma_wait3A_51 : memref<1x256x1024xf32, #tpu.memory_space<hbm>> -> memref<256x1024xf32, #tpu.memory_space<hbm>>
      %dma_wait3A_53 = arith.constant 0 : i32
      %dma_wait3A_54 = arith.constant 0 : i32
      %dma_wait3A_55 = tpu.memref_slice %dma_wait3A_52[%dma_wait3A_53, %dma_wait3A_54] : memref<256x1024xf32, #tpu.memory_space<hbm>> -> memref<256x1024xf32, #tpu.memory_space<hbm>>
      %dma_wait3A_56 = tpu.memref_slice %arg7[%rem3A_21] : memref<7x!tpu.dma_semaphore, #tpu.memory_space<semaphore_mem>> -> memref<1x!tpu.dma_semaphore, #tpu.memory_space<semaphore_mem>>
      %dma_wait3A_57 = tpu.memref_squeeze %dma_wait3A_56 : memref<1x!tpu.dma_semaphore, #tpu.memory_space<semaphore_mem>> -> memref<!tpu.dma_semaphore, #tpu.memory_space<semaphore_mem>>
      tpu.wait_indirect_dma semaphore(%dma_wait3A_57 : memref<!tpu.dma_semaphore, #tpu.memory_space<semaphore_mem>>) src(%dma_wait3A_55 : memref<256x1024xf32, #tpu.memory_space<hbm>>) dst(%dma_wait3A_47 : memref<16x1024xf32, #tpu.memory_space<vmem>>)
      %rem3A_58 = arith.constant 7 : i32
      %rem3A_59 = arith.remsi %scan3A_20, %rem3A_58 : i32
      %jit3A_60 = arith.constant 8 : i32
      %div3A_61 = arith.divsi %scan3A_20, %jit3A_60 : i32
      %sign3A_62 = arith.constant 0 : i32
      %sign3A_63 = arith.cmpi sgt, %scan3A_20, %sign3A_62 : i32
      %sign3A_64 = arith.extui %sign3A_63 : i1 to i32
      %sign3A_65 = arith.constant 0 : i32
      %sign3A_66 = arith.cmpi slt, %scan3A_20, %sign3A_65 : i32
      %sign3A_67 = arith.extui %sign3A_66 : i1 to i32
      %sign3A_68 = arith.subi %sign3A_64, %sign3A_67 : i32
      %sign3A_69 = arith.constant 0 : i32
      %sign3A_70 = arith.cmpi sgt, %jit3A_60, %sign3A_69 : i32
      %sign3A_71 = arith.extui %sign3A_70 : i1 to i32
      %sign3A_72 = arith.constant 0 : i32
      %sign3A_73 = arith.cmpi slt, %jit3A_60, %sign3A_72 : i32
      %sign3A_74 = arith.extui %sign3A_73 : i1 to i32
      %sign3A_75 = arith.subi %sign3A_71, %sign3A_74 : i32
      %ne3A_76 = arith.cmpi ne, %sign3A_68, %sign3A_75 : i32
      %rem3A_77 = arith.remsi %scan3A_20, %jit3A_60 : i32
      %ne3A_78 = arith.constant 0 : i32
      %ne3A_79 = arith.cmpi ne, %rem3A_77, %ne3A_78 : i32
      %and3A_80 = arith.andi %ne3A_76, %ne3A_79 : i1
      %sub3A_81 = arith.constant 1 : i32
      %sub3A_82 = arith.subi %div3A_61, %sub3A_81 : i32
      %select_n3A_83 = arith.select %and3A_80, %sub3A_82, %div3A_61 : i32
      %add3A_84 = arith.addi %mul3A_2, %select_n3A_83 : i32
      %mul3A_85 = arith.constant 8 : i32
      %mul3A_86 = arith.muli %select_n3A_83, %mul3A_85 : i32
      %sub3A_87 = arith.subi %scan3A_20, %mul3A_86 : i32
      %mul3A_88 = arith.constant 16 : i32
      %mul3A_89 = arith.muli %sub3A_87, %mul3A_88 : i32
      %mul3A_90 = arith.constant 16 : i32
      %mul3A_91 = arith.muli %rem3A_59, %mul3A_90 : i32
      %dma_start3A = arith.constant 0 : i32
      %dma_start3A_92 = tpu.memref_slice %arg6[%mul3A_91, %dma_start3A] : memref<112x1024xf32, #tpu.memory_space<vmem>> -> memref<16x1024xf32, #tpu.memory_space<vmem>>
      %dma_start3A_93 = arith.constant 0 : i32
      %dma_start3A_94 = arith.constant 0 : i32
      %dma_start3A_95 = tpu.memref_slice %arg4[%add3A_84, %dma_start3A_93, %dma_start3A_94] : memref<64x128x1024xf32, #tpu.memory_space<hbm>> -> memref<1x128x1024xf32, #tpu.memory_space<hbm>>
      %dma_start3A_96 = tpu.memref_squeeze %dma_start3A_95 : memref<1x128x1024xf32, #tpu.memory_space<hbm>> -> memref<128x1024xf32, #tpu.memory_space<hbm>>
      %dma_start3A_97 = arith.constant 0 : i32
      %dma_start3A_98 = tpu.memref_slice %dma_start3A_96[%mul3A_89, %dma_start3A_97] : memref<128x1024xf32, #tpu.memory_space<hbm>> -> memref<16x1024xf32, #tpu.memory_space<hbm>>
      %dma_start3A_99 = tpu.memref_slice %arg8[%rem3A_59] : memref<7x!tpu.dma_semaphore, #tpu.memory_space<semaphore_mem>> -> memref<1x!tpu.dma_semaphore, #tpu.memory_space<semaphore_mem>>
      %dma_start3A_100 = tpu.memref_squeeze %dma_start3A_99 : memref<1x!tpu.dma_semaphore, #tpu.memory_space<semaphore_mem>> -> memref<!tpu.dma_semaphore, #tpu.memory_space<semaphore_mem>>
      %dma_start3A_101 = arith.constant 0 : i32
      %dma_start3A_102 = arith.constant 0 : i32
      %dma_start3A_103 = tpu.memref_slice %arg4[%add3A_84, %dma_start3A_101, %dma_start3A_102] : memref<64x128x1024xf32, #tpu.memory_space<hbm>> -> memref<1x128x1024xf32, #tpu.memory_space<hbm>>
      %dma_start3A_104 = tpu.memref_squeeze %dma_start3A_103 : memref<1x128x1024xf32, #tpu.memory_space<hbm>> -> memref<128x1024xf32, #tpu.memory_space<hbm>>
      %dma_start3A_105 = arith.constant 0 : i32
      %dma_start3A_106 = tpu.memref_slice %dma_start3A_104[%mul3A_89, %dma_start3A_105] : memref<128x1024xf32, #tpu.memory_space<hbm>> -> memref<16x1024xf32, #tpu.memory_space<hbm>>
      %dma_start3A_107 = arith.constant 0 : i32
      %dma_start3A_108 = tpu.memref_slice %arg6[%mul3A_91, %dma_start3A_107] : memref<112x1024xf32, #tpu.memory_space<vmem>> -> memref<16x1024xf32, #tpu.memory_space<vmem>>
      tpu.enqueue_dma source(%dma_start3A_108 : memref<16x1024xf32, #tpu.memory_space<vmem>>) target(%dma_start3A_106 : memref<16x1024xf32, #tpu.memory_space<hbm>>) target_semaphore(%dma_start3A_100 : memref<!tpu.dma_semaphore, #tpu.memory_space<semaphore_mem>>)
      %add3A_109 = arith.constant 7 : i32
      %add3A_110 = arith.addi %scan3A_20, %add3A_109 : i32
      %lt3A = arith.constant 16 : i32
      %lt3A_111 = arith.cmpi slt, %add3A_110, %lt3A : i32
      %convert_element_type3A = arith.extui %lt3A_111 : i1 to i32
      %cond3A = arith.constant 0 : i32
      %cond3A_112 = arith.cmpi ne, %convert_element_type3A, %cond3A : i32
      scf.if %cond3A_112 {
        %rem3A_113 = arith.constant 7 : i32
        %rem3A_114 = arith.remsi %scan3A_20, %rem3A_113 : i32
        %jit3A_115 = arith.constant 8 : i32
        %div3A_116 = arith.divsi %scan3A_20, %jit3A_115 : i32
        %sign3A_117 = arith.constant 0 : i32
        %sign3A_118 = arith.cmpi sgt, %scan3A_20, %sign3A_117 : i32
        %sign3A_119 = arith.extui %sign3A_118 : i1 to i32
        %sign3A_120 = arith.constant 0 : i32
        %sign3A_121 = arith.cmpi slt, %scan3A_20, %sign3A_120 : i32
        %sign3A_122 = arith.extui %sign3A_121 : i1 to i32
        %sign3A_123 = arith.subi %sign3A_119, %sign3A_122 : i32
        %sign3A_124 = arith.constant 0 : i32
        %sign3A_125 = arith.cmpi sgt, %jit3A_115, %sign3A_124 : i32
        %sign3A_126 = arith.extui %sign3A_125 : i1 to i32
        %sign3A_127 = arith.constant 0 : i32
        %sign3A_128 = arith.cmpi slt, %jit3A_115, %sign3A_127 : i32
        %sign3A_129 = arith.extui %sign3A_128 : i1 to i32
        %sign3A_130 = arith.subi %sign3A_126, %sign3A_129 : i32
        %ne3A_131 = arith.cmpi ne, %sign3A_123, %sign3A_130 : i32
        %rem3A_132 = arith.remsi %scan3A_20, %jit3A_115 : i32
        %ne3A_133 = arith.constant 0 : i32
        %ne3A_134 = arith.cmpi ne, %rem3A_132, %ne3A_133 : i32
        %and3A_135 = arith.andi %ne3A_131, %ne3A_134 : i1
        %sub3A_136 = arith.constant 1 : i32
        %sub3A_137 = arith.subi %div3A_116, %sub3A_136 : i32
        %select_n3A_138 = arith.select %and3A_135, %sub3A_137, %div3A_116 : i32
        %add3A_139 = arith.addi %mul3A_2, %select_n3A_138 : i32
        %mul3A_140 = arith.constant 8 : i32
        %mul3A_141 = arith.muli %select_n3A_138, %mul3A_140 : i32
        %sub3A_142 = arith.subi %scan3A_20, %mul3A_141 : i32
        %mul3A_143 = arith.constant 16 : i32
        %mul3A_144 = arith.muli %sub3A_142, %mul3A_143 : i32
        %mul3A_145 = arith.constant 16 : i32
        %mul3A_146 = arith.muli %rem3A_114, %mul3A_145 : i32
        %dma_wait3A_147 = arith.constant 0 : i32
        %dma_wait3A_148 = tpu.memref_slice %arg6[%mul3A_146, %dma_wait3A_147] : memref<112x1024xf32, #tpu.memory_space<vmem>> -> memref<16x1024xf32, #tpu.memory_space<vmem>>
        %dma_wait3A_149 = arith.constant 0 : i32
        %dma_wait3A_150 = arith.constant 0 : i32
        %dma_wait3A_151 = tpu.memref_slice %arg4[%add3A_139, %dma_wait3A_149, %dma_wait3A_150] : memref<64x128x1024xf32, #tpu.memory_space<hbm>> -> memref<1x128x1024xf32, #tpu.memory_space<hbm>>
        %dma_wait3A_152 = tpu.memref_squeeze %dma_wait3A_151 : memref<1x128x1024xf32, #tpu.memory_space<hbm>> -> memref<128x1024xf32, #tpu.memory_space<hbm>>
        %dma_wait3A_153 = arith.constant 0 : i32
        %dma_wait3A_154 = tpu.memref_slice %dma_wait3A_152[%mul3A_144, %dma_wait3A_153] : memref<128x1024xf32, #tpu.memory_space<hbm>> -> memref<16x1024xf32, #tpu.memory_space<hbm>>
        %dma_wait3A_155 = tpu.memref_slice %arg8[%rem3A_114] : memref<7x!tpu.dma_semaphore, #tpu.memory_space<semaphore_mem>> -> memref<1x!tpu.dma_semaphore, #tpu.memory_space<semaphore_mem>>
        %dma_wait3A_156 = tpu.memref_squeeze %dma_wait3A_155 : memref<1x!tpu.dma_semaphore, #tpu.memory_space<semaphore_mem>> -> memref<!tpu.dma_semaphore, #tpu.memory_space<semaphore_mem>>
        %dma_wait3A_157 = arith.constant 0 : i32
        %dma_wait3A_158 = arith.constant 0 : i32
        %dma_wait3A_159 = tpu.memref_slice %arg4[%add3A_139, %dma_wait3A_157, %dma_wait3A_158] : memref<64x128x1024xf32, #tpu.memory_space<hbm>> -> memref<1x128x1024xf32, #tpu.memory_space<hbm>>
        %dma_wait3A_160 = tpu.memref_squeeze %dma_wait3A_159 : memref<1x128x1024xf32, #tpu.memory_space<hbm>> -> memref<128x1024xf32, #tpu.memory_space<hbm>>
        %dma_wait3A_161 = arith.constant 0 : i32
        %dma_wait3A_162 = tpu.memref_slice %dma_wait3A_160[%mul3A_144, %dma_wait3A_161] : memref<128x1024xf32, #tpu.memory_space<hbm>> -> memref<16x1024xf32, #tpu.memory_space<hbm>>
        %dma_wait3A_163 = arith.constant 0 : i32
        %dma_wait3A_164 = tpu.memref_slice %arg6[%mul3A_146, %dma_wait3A_163] : memref<112x1024xf32, #tpu.memory_space<vmem>> -> memref<16x1024xf32, #tpu.memory_space<vmem>>
        tpu.wait_dma2 semaphore(%dma_wait3A_156 : memref<!tpu.dma_semaphore, #tpu.memory_space<semaphore_mem>>) src(%dma_wait3A_164 : memref<16x1024xf32, #tpu.memory_space<vmem>>) dst(%dma_wait3A_162 : memref<16x1024xf32, #tpu.memory_space<hbm>>)
        %add3A_165 = arith.constant 7 : i32
        %add3A_166 = arith.addi %scan3A_20, %add3A_165 : i32
        %rem3A_167 = arith.constant 7 : i32
        %rem3A_168 = arith.remsi %add3A_166, %rem3A_167 : i32
        %jit3A_169 = arith.constant 8 : i32
        %div3A_170 = arith.divsi %add3A_166, %jit3A_169 : i32
        %sign3A_171 = arith.constant 0 : i32
        %sign3A_172 = arith.cmpi sgt, %add3A_166, %sign3A_171 : i32
        %sign3A_173 = arith.extui %sign3A_172 : i1 to i32
        %sign3A_174 = arith.constant 0 : i32
        %sign3A_175 = arith.cmpi slt, %add3A_166, %sign3A_174 : i32
        %sign3A_176 = arith.extui %sign3A_175 : i1 to i32
        %sign3A_177 = arith.subi %sign3A_173, %sign3A_176 : i32
        %sign3A_178 = arith.constant 0 : i32
        %sign3A_179 = arith.cmpi sgt, %jit3A_169, %sign3A_178 : i32
        %sign3A_180 = arith.extui %sign3A_179 : i1 to i32
        %sign3A_181 = arith.constant 0 : i32
        %sign3A_182 = arith.cmpi slt, %jit3A_169, %sign3A_181 : i32
        %sign3A_183 = arith.extui %sign3A_182 : i1 to i32
        %sign3A_184 = arith.subi %sign3A_180, %sign3A_183 : i32
        %ne3A_185 = arith.cmpi ne, %sign3A_177, %sign3A_184 : i32
        %rem3A_186 = arith.remsi %add3A_166, %jit3A_169 : i32
        %ne3A_187 = arith.constant 0 : i32
        %ne3A_188 = arith.cmpi ne, %rem3A_186, %ne3A_187 : i32
        %and3A_189 = arith.andi %ne3A_185, %ne3A_188 : i1
        %sub3A_190 = arith.constant 1 : i32
        %sub3A_191 = arith.subi %div3A_170, %sub3A_190 : i32
        %select_n3A_192 = arith.select %and3A_189, %sub3A_191, %div3A_170 : i32
        %add3A_193 = arith.addi %mul3A_2, %select_n3A_192 : i32
        %mul3A_194 = arith.constant 8 : i32
        %mul3A_195 = arith.muli %select_n3A_192, %mul3A_194 : i32
        %sub3A_196 = arith.subi %add3A_166, %mul3A_195 : i32
        %mul3A_197 = arith.constant 16 : i32
        %mul3A_198 = arith.muli %sub3A_196, %mul3A_197 : i32
        %mul3A_199 = arith.constant 16 : i32
        %mul3A_200 = arith.muli %rem3A_168, %mul3A_199 : i32
        %dma_start3A_201 = arith.constant 0 : i32
        %dma_start3A_202 = tpu.memref_slice %arg6[%mul3A_200, %dma_start3A_201] : memref<112x1024xf32, #tpu.memory_space<vmem>> -> memref<16x1024xf32, #tpu.memory_space<vmem>>
        %dma_start3A_203 = tpu.memref_slice %arg5[%mul3A_198] : memref<128xi32, #tpu.memory_space<vmem>> -> memref<16xi32, #tpu.memory_space<vmem>>
        %dma_start3A_204 = arith.constant 0 : i32
        %dma_start3A_205 = arith.constant 0 : i32
        %dma_start3A_206 = tpu.memref_slice %arg2[%add3A_193, %dma_start3A_204, %dma_start3A_205] : memref<64x256x1024xf32, #tpu.memory_space<hbm>> -> memref<1x256x1024xf32, #tpu.memory_space<hbm>>
        %dma_start3A_207 = tpu.memref_squeeze %dma_start3A_206 : memref<1x256x1024xf32, #tpu.memory_space<hbm>> -> memref<256x1024xf32, #tpu.memory_space<hbm>>
        %dma_start3A_208 = arith.constant 0 : i32
        %dma_start3A_209 = arith.constant 0 : i32
        %dma_start3A_210 = tpu.memref_slice %dma_start3A_207[%dma_start3A_208, %dma_start3A_209] : memref<256x1024xf32, #tpu.memory_space<hbm>> -> memref<256x1024xf32, #tpu.memory_space<hbm>>
        %dma_start3A_211 = tpu.memref_slice %arg7[%rem3A_168] : memref<7x!tpu.dma_semaphore, #tpu.memory_space<semaphore_mem>> -> memref<1x!tpu.dma_semaphore, #tpu.memory_space<semaphore_mem>>
        %dma_start3A_212 = tpu.memref_squeeze %dma_start3A_211 : memref<1x!tpu.dma_semaphore, #tpu.memory_space<semaphore_mem>> -> memref<!tpu.dma_semaphore, #tpu.memory_space<semaphore_mem>>
        tpu.enqueue_indirect_dma source(%dma_start3A_210 : memref<256x1024xf32, #tpu.memory_space<hbm>>) target(%dma_start3A_202 : memref<16x1024xf32, #tpu.memory_space<vmem>>) offsets(%dma_start3A_203 : memref<16xi32, #tpu.memory_space<vmem>>) semaphore(%dma_start3A_212 : memref<!tpu.dma_semaphore, #tpu.memory_space<semaphore_mem>>)
      } else {
      }
    }
    %scan3A_13 = arith.constant 16 : i32
    %scan3A_14 = arith.constant 0 : i32
    %scan3A_15 = arith.constant 9 : i32
    %scan3A_16 = arith.constant 7 : i32
    %scan3A_17 = arith.addi %scan3A_15, %scan3A_16 : i32
    %scan3A_18 = arith.constant 1 : i32
    scf.for %scan3A_20 = %scan3A_15 to %scan3A_17 step %scan3A_18  : i32 {
      %rem3A = arith.constant 7 : i32
      %rem3A_21 = arith.remsi %scan3A_20, %rem3A : i32
      %jit3A = arith.constant 8 : i32
      %div3A = arith.divsi %scan3A_20, %jit3A : i32
      %sign3A = arith.constant 0 : i32
      %sign3A_22 = arith.cmpi sgt, %scan3A_20, %sign3A : i32
      %sign3A_23 = arith.extui %sign3A_22 : i1 to i32
      %sign3A_24 = arith.constant 0 : i32
      %sign3A_25 = arith.cmpi slt, %scan3A_20, %sign3A_24 : i32
      %sign3A_26 = arith.extui %sign3A_25 : i1 to i32
      %sign3A_27 = arith.subi %sign3A_23, %sign3A_26 : i32
      %sign3A_28 = arith.constant 0 : i32
      %sign3A_29 = arith.cmpi sgt, %jit3A, %sign3A_28 : i32
      %sign3A_30 = arith.extui %sign3A_29 : i1 to i32
      %sign3A_31 = arith.constant 0 : i32
      %sign3A_32 = arith.cmpi slt, %jit3A, %sign3A_31 : i32
      %sign3A_33 = arith.extui %sign3A_32 : i1 to i32
      %sign3A_34 = arith.subi %sign3A_30, %sign3A_33 : i32
      %ne3A = arith.cmpi ne, %sign3A_27, %sign3A_34 : i32
      %rem3A_35 = arith.remsi %scan3A_20, %jit3A : i32
      %ne3A_36 = arith.constant 0 : i32
      %ne3A_37 = arith.cmpi ne, %rem3A_35, %ne3A_36 : i32
      %and3A = arith.andi %ne3A, %ne3A_37 : i1
      %sub3A = arith.constant 1 : i32
      %sub3A_38 = arith.subi %div3A, %sub3A : i32
      %select_n3A = arith.select %and3A, %sub3A_38, %div3A : i32
      %add3A_39 = arith.addi %mul3A_2, %select_n3A : i32
      %mul3A_40 = arith.constant 8 : i32
      %mul3A_41 = arith.muli %select_n3A, %mul3A_40 : i32
      %sub3A_42 = arith.subi %scan3A_20, %mul3A_41 : i32
      %mul3A_43 = arith.constant 16 : i32
      %mul3A_44 = arith.muli %sub3A_42, %mul3A_43 : i32
      %mul3A_45 = arith.constant 16 : i32
      %mul3A_46 = arith.muli %rem3A_21, %mul3A_45 : i32
      %dma_wait3A = arith.constant 0 : i32
      %dma_wait3A_47 = tpu.memref_slice %arg6[%mul3A_46, %dma_wait3A] : memref<112x1024xf32, #tpu.memory_space<vmem>> -> memref<16x1024xf32, #tpu.memory_space<vmem>>
      %dma_wait3A_48 = arith.constant 0 : i32
      %dma_wait3A_49 = arith.constant 0 : i32
      %dma_wait3A_50 = tpu.memref_slice %arg4[%add3A_39, %dma_wait3A_48, %dma_wait3A_49] : memref<64x128x1024xf32, #tpu.memory_space<hbm>> -> memref<1x128x1024xf32, #tpu.memory_space<hbm>>
      %dma_wait3A_51 = tpu.memref_squeeze %dma_wait3A_50 : memref<1x128x1024xf32, #tpu.memory_space<hbm>> -> memref<128x1024xf32, #tpu.memory_space<hbm>>
      %dma_wait3A_52 = arith.constant 0 : i32
      %dma_wait3A_53 = tpu.memref_slice %dma_wait3A_51[%mul3A_44, %dma_wait3A_52] : memref<128x1024xf32, #tpu.memory_space<hbm>> -> memref<16x1024xf32, #tpu.memory_space<hbm>>
      %dma_wait3A_54 = tpu.memref_slice %arg8[%rem3A_21] : memref<7x!tpu.dma_semaphore, #tpu.memory_space<semaphore_mem>> -> memref<1x!tpu.dma_semaphore, #tpu.memory_space<semaphore_mem>>
      %dma_wait3A_55 = tpu.memref_squeeze %dma_wait3A_54 : memref<1x!tpu.dma_semaphore, #tpu.memory_space<semaphore_mem>> -> memref<!tpu.dma_semaphore, #tpu.memory_space<semaphore_mem>>
      %dma_wait3A_56 = arith.constant 0 : i32
      %dma_wait3A_57 = arith.constant 0 : i32
      %dma_wait3A_58 = tpu.memref_slice %arg4[%add3A_39, %dma_wait3A_56, %dma_wait3A_57] : memref<64x128x1024xf32, #tpu.memory_space<hbm>> -> memref<1x128x1024xf32, #tpu.memory_space<hbm>>
      %dma_wait3A_59 = tpu.memref_squeeze %dma_wait3A_58 : memref<1x128x1024xf32, #tpu.memory_space<hbm>> -> memref<128x1024xf32, #tpu.memory_space<hbm>>
      %dma_wait3A_60 = arith.constant 0 : i32
      %dma_wait3A_61 = tpu.memref_slice %dma_wait3A_59[%mul3A_44, %dma_wait3A_60] : memref<128x1024xf32, #tpu.memory_space<hbm>> -> memref<16x1024xf32, #tpu.memory_space<hbm>>
      %dma_wait3A_62 = arith.constant 0 : i32
      %dma_wait3A_63 = tpu.memref_slice %arg6[%mul3A_46, %dma_wait3A_62] : memref<112x1024xf32, #tpu.memory_space<vmem>> -> memref<16x1024xf32, #tpu.memory_space<vmem>>
      tpu.wait_dma2 semaphore(%dma_wait3A_55 : memref<!tpu.dma_semaphore, #tpu.memory_space<semaphore_mem>>) src(%dma_wait3A_63 : memref<16x1024xf32, #tpu.memory_space<vmem>>) dst(%dma_wait3A_61 : memref<16x1024xf32, #tpu.memory_space<hbm>>)
    }
    %scan3A_19 = arith.constant 7 : i32
    return
  }
}

</mosaic_0001>

<sc_bundles>
// kernel: kernel.3.cloned.1.call-start
scs
__scs_entry_jumppad:
0x0: {  	(pc) =	sbr.rel $0x88, $3  }
0x1: {  	(tag) =	ssettag $0x0;
	lr =	simm.s32 $0x1  }
0x2: {  	[smem:$0x3F9F] =	sst lr;
	_ =	strace $0xD0000000  }
0x3: {  	_ = 	snop  }
0x4: {  	_ = 	snop  }
0x5: {  	_ = 	snop  }
0x6: {  	_ = 	snop  }
0x7: {  	_ = 	snop  }
__scs_overlays_trampoline_lowered:
0x8: {  	[smem:$0x3FAE] =	sst s0  }
0x9: {  	[smem:$0x3FAF] =	sst s1  }
0xa: {  	[smem:$0x3FB0] =	sst s2  }
0xb: {  	[smem:$0x3FB1] =	sst s3  }
0xc: {  	[smem:$0x3FB2] =	sst s4  }
0xd: {  	[smem:$0x3FB3] =	sst s5  }
0xe: {  	[smem:$0x3FB4] =	sst s6  }
0xf: {  	[smem:$0x3FB5] =	sst s7  }
0x10: {  	[smem:$0x3FB6] =	sst s8  }
0x11: {  	[smem:$0x3FB7] =	sst s9;
	s0 =	simm.s32 @!p0 $0x0  }
0x12: {  	s1 =	sld [smem:$0x3F9D];
	s0 =	simm.s32 @p0 $0x1  }
0x13: {  	[smem:$0x3FB8] =	sst s0;
	s0 =	simm.s32 @!p1 $0x0  }
0x14: {  	s2 =	sld [smem:$0x3F9C];
	s0 =	simm.s32 @p1 $0x1  }
0x15: {  	[smem:$0x3FB9] =	sst s0;
	s0 =	simm.s32 @!p2 $0x0  }
0x16: {  	s3 =	sld [smem:$0x3FDB];
	s0 =	simm.s32 @p2 $0x1  }
0x17: {  	s4 =	simm.s32 $0x1BF5;
	[smem:$0x3FBB] =	sst s0  }
0x18: {  	s0 =	sld [smem:$0x3F9E];
	_ =	swait.ge [sflag:s4], $0x0  }
0x19: {  	s7 =	sld [smem:$0x3F9F]  }
0x1a: {  	s8 =	sadd.s32 $0xFFFFE003, lr  }
0x1b: {  	s9 =	sadd.s32 $0xFFFFFEF7, lr;
	s5 =	simm.s32 $0xFFFFFFFF;
	p2 =	slt.u32 s8, $0xFFFFF086  }
0x1c: {  	p1 =	slt.u32 s9, $0xF7A;
	s5 =	simm.s32 @!p2 $0x0  }
0x1d: {  	s5 =	simm.s32 @p1 $0x1;
	p0 =	seq.s32 s7, s2  }
0x1e: {  	s7 =	smul.u32 @!p0 $0xF7A, s2;
	p2 =	seq.s32 @!p0 s5, $0x0  }
0x1f: {  	s9 =	smul.u32 $0xF7A, s1;
	s8 =	simm.s32 @!p0 $0x1BF5;
	p2 =	por !p2, p0  }
0x20: {  	[sflag:s8] =	ssyncset.s32 @!p0 $0xFFFFF086;
	s6 =	sadd.s32 @!p0 s3, s7;
	s7 =	simm.s32 @!p0 $0x108  }
0x21: {  	s3 =	sadd.s32 s3, s9;
	s6 =	sadd.s32 @!p0 $0x88, s6;
	s7 =	simm.s32 @p2 $0x1082  }
0x22: {  	[simem:s7], [sflag:s8] =	dma.local @!p0 [hbm:s6], $0xF7A  }
0x23: {  	s9 =	sor.u32 $0xD0000000, s2;
	s6 =	simm.s32 $0x108;
	_ =	swait.ge @!p0 [sflag:s8], $0x0  }
0x24: {  	s3 =	sadd.s32 $0x88, s3;
	s6 =	simm.s32 @!p1 $0x1082;
	[sflag:s4] =	ssyncset.s32 $0xFFFFF086  }
0x25: {  	[simem:s6], [sflag:s4] =	dma.local [hbm:s3], $0xF7A  }
0x26: {  	[smem:$0x3F9F] =	sst s1;
	(tag) =	ssettag s2;
	_ =	strace s9  }
0x27: {  	s1 =	sld [smem:$0x3FAF]  }
0x28: {  	s2 =	sld [smem:$0x3FB0]  }
0x29: {  	s4 =	sld [smem:$0x3FB2]  }
0x2a: {  	p0 =	seq.s32 s5, $0x0;
	s5 =	sld [smem:$0x3FB3]  }
0x2b: {  	s6 =	sld [smem:$0x3FB4]  }
0x2c: {  	s7 =	sld [smem:$0x3FB5]  }
0x2d: {  	s3 =	simm.s32 $0x108;
	s8 =	sld [smem:$0x3FB6]  }
0x2e: {  	s3 =	simm.s32 @!p0 $0x1082;
	s9 =	sld [smem:$0x3FB7]  }
0x2f: {  	lr =	sadd.s32 s0, s3;
	s0 =	sld [smem:$0x3FAE]  }
0x30: {  	s3 =	sld [smem:$0x3FB1]  }
0x31: {  	[smem:$0x3FBA] =	sst s10  }
0x32: {  	s10 =	sld [smem:$0x3FB8];
	_ =	sdelay $0x3  }
0x33: {  	p0 =	seq.s32 s10, $0x1;
	s10 =	sld [smem:$0x3FBA];
	_ =	sdelay $0x3  }
0x34: {  	[smem:$0x3FBA] =	sst s10  }
0x35: {  	s10 =	sld [smem:$0x3FB9];
	_ =	sdelay $0x3  }
0x36: {  	p1 =	seq.s32 s10, $0x1;
	s10 =	sld [smem:$0x3FBA];
	_ =	sdelay $0x3  }
0x37: {  	[smem:$0x3FBA] =	sst s10  }
0x38: {  	s10 =	sld [smem:$0x3FBB]  }
0x39: {  	_ = 	snop;
	(pc) =	sbr.ind lr, $3  }
0x3a: {  	_ = 	snop  }
0x3b: {  	_ = 	snop  }
0x3c: {  	p2 =	seq.s32 s10, $0x1;
	s10 =	sld [smem:$0x3FBA]  }
0x3d: {  	_ =	shalt  }
0x3e: {  	_ =	shalt  }
0x3f: {  	_ =	shalt  }
0x40: {  	_ =	shalt  }
0x41: {  	_ =	shalt  }
0x42: {  	_ =	shalt  }
0x43: {  	_ =	shalt  }
0x44: {  	_ =	shalt  }
0x45: {  	_ =	shalt  }
0x46: {  	_ =	shalt  }
0x47: {  	_ =	shalt  }
0x48: {  	_ =	shalt  }
0x49: {  	_ =	shalt  }
0x4a: {  	_ =	shalt  }
0x4b: {  	_ =	shalt  }
0x4c: {  	_ =	shalt  }
0x4d: {  	_ =	shalt  }
0x4e: {  	_ =	shalt  }
0x4f: {  	_ =	shalt  }
0x50: {  	_ =	shalt  }
0x51: {  	_ =	shalt  }
0x52: {  	_ =	shalt  }
0x53: {  	_ =	shalt  }
0x54: {  	_ =	shalt  }
0x55: {  	_ =	shalt  }
0x56: {  	_ =	shalt  }
0x57: {  	_ =	shalt  }
0x58: {  	_ =	shalt  }
0x59: {  	_ =	shalt  }
0x5a: {  	_ =	shalt  }
0x5b: {  	_ =	shalt  }
0x5c: {  	_ =	shalt  }
0x5d: {  	_ =	shalt  }
0x5e: {  	_ =	shalt  }
0x5f: {  	_ =	shalt  }
0x60: {  	_ =	shalt  }
0x61: {  	_ =	shalt  }
0x62: {  	_ =	shalt  }
0x63: {  	_ =	shalt  }
0x64: {  	_ =	shalt  }
0x65: {  	_ =	shalt  }
0x66: {  	_ =	shalt  }
0x67: {  	_ =	shalt  }
0x68: {  	_ =	shalt  }
0x69: {  	_ =	shalt  }
0x6a: {  	_ =	shalt  }
0x6b: {  	_ =	shalt  }
0x6c: {  	_ =	shalt  }
0x6d: {  	_ =	shalt  }
0x6e: {  	_ =	shalt  }
0x6f: {  	_ =	shalt  }
0x70: {  	_ =	shalt  }
0x71: {  	_ =	shalt  }
0x72: {  	_ =	shalt  }
0x73: {  	_ =	shalt  }
0x74: {  	_ =	shalt  }
0x75: {  	_ =	shalt  }
0x76: {  	_ =	shalt  }
0x77: {  	_ =	shalt  }
0x78: {  	_ =	shalt  }
0x79: {  	_ =	shalt  }
0x7a: {  	_ =	shalt  }
0x7b: {  	_ =	shalt  }
0x7c: {  	_ =	shalt  }
0x7d: {  	_ =	shalt  }
0x7e: {  	_ =	shalt  }
0x7f: {  	_ =	shalt  }
0x80: {  	_ =	shalt  }
0x81: {  	_ =	shalt  }
0x82: {  	_ =	shalt  }
0x83: {  	_ =	shalt  }
0x84: {  	_ =	shalt  }
0x85: {  	_ =	shalt  }
0x86: {  	_ =	shalt  }
0x87: {  	_ =	shalt  }
.Lfunc_end0:
.L_simem_size_0:
called_computation_lowered:
.L_overlay_start_0:
0x88: {  	s2 =	sld [smem:$0x3FD9]  }
0x89: {  	s3 =	sld [smem:$0x3FFE];
	_ =	sdelay $0x1  }
0x8a: {  	s1 =	srdreg.scid  }
0x8b: {  	s0 =	sand.u32 $0x1, s1  }
0x8c: {  	s18 =	sshll.u32 s0, $0xA;
	s2 =	sadd.s32 s3, s2  }
0x8d: {  	s2 =	sadd.s32 s2, s18  }
0x8e: {  	[smem:$0x3FC6] =	sst s2  }
0x8f: {  	_ = 	snop  }
0x90: {  	s2 =	sld [smem:$0x3FC9]  }
0x91: {  	s19 =	sld [smem:$0x3FC8]  }
0x92: {  	s4 =	sld [smem:$0x3FD0];
	(tm) =	ssettm $0x1  }
0x93: {  	s5 =	sld [smem:$0x3FFB];
	_ =	sdelay $0x3  }
0x94: {  	_ =	strace s5  }
0x95: {  	s5 =	sld [smem:$0x3FFC];
	_ =	sdelay $0x3  }
0x96: {  	_ =	strace s5  }
0x97: {  	s5 =	sld [smem:$0x3FFD];
	_ =	sdelay $0x3  }
0x98: {  	_ =	strace s5  }
0x99: {  	_ =	strace $0x8FFFFFFF  }
0x9a: {  	s20 =	sld [smem:$0x3FDB];
	_ =	sdelay $0x1  }
0x9b: {  	s6 =	simm.s32 $_scs_section_size  }
0x9c: {  	s7 =	simm.s32 $_size__tile_overlayer_lowered;
	s8 =	simm.s32 $_tile_overlayer_lowered  }
0x9d: {  	s23 =	simm.s32 $0x1BFF;
	s22 =	sshll.u32 s8, $0x1;
	s5 =	sadd.s32 s6, s20  }
0x9e: {  	s9 =	simm.s32 $0x0;
	s21 =	sshll.u32 s7, $0x1;
	s7 =	sadd.s32 s22, s5  }
0x9f: {  	[timem:s9], [sflag:s23] =	dma.local [hbm:s7], s21  }
0xa0: {  	_ =	swait.ge [sflag:s23], s21  }
0xa1: {  	s6 =	ssub.s32 $0x0, s21;
	[sflag:s23] =	ssyncset.done $0x0  }
0xa2: {  	[sflag:s23] =	ssyncadd.s32 s6;
	_ =	sdelay $0x1  }
0xa3: {  	s24 =	simm.s32 $0x1B8B  }
0xa4: {  	_ =	swait.ge [sflag:s24], $0x1  }
0xa5: {  	[sflag:s24] =	ssyncset.done $0x0  }
0xa6: {  	s25 =	simm.s32 $0x1B8E;
	[sflag:s24] =	ssyncadd.s32 $0xFFFFFFFF  }
0xa7: {  	s26 =	simm.s32 $execute0_lowered;
	[smem:$0x3FD2] =	sst s25  }
0xa8: {  	s6 =	sshll.u32 s26, $0x1;
	_ =	strace $0x80000046;
	[dreg:$0x1] =	wrdreg $0xFFFFFFFF  }
0xa9: {  	s28 =	simm.s32 $_size_execute0_lowered;
	s5 =	sadd.s32 s5, s6;
	[dreg:$0x0] =	wrdreg $0x0  }
0xaa: {  	s6 =	sshll.u32 s28, $0x1;
	[dreg:$0x2] =	wrdreg s5  }
0xab: {  	[dreg:$0x3] =	wrdreg s6  }
0xac: {  	[dreg:$0x4] =	wrdreg $0xC0  }
0xad: {  	_ =	task [dreg:s9], $0x5FFFF  }
0xae: {  	[dreg:$0x1] =	wrdreg $0xFFFFFFFF  }
0xaf: {  	[dreg:$0x0] =	wrdreg $0x60  }
0xb0: {  	[dreg:$0x2] =	wrdreg s2  }
0xb1: {  	[dreg:$0x3] =	wrdreg s19  }
0xb2: {  	[dreg:$0x4] =	wrdreg s4  }
0xb3: {  	[dreg:$0x5] =	wrdreg $0x9  }
0xb4: {  	_ =	task.clear_ibuf [dreg:s9], $0x6FFFF;
	_ =	strace $0x90000046  }
0xb5: {  	s29 =	simm.s32 $0x9;
	_ =	strace $0x80000048  }
0xb6: {  	_ =	swait.ge [sflag:s29], $0x1  }
0xb7: {  	[sflag:s29] =	ssyncadd.s32 $0xFFFFFFFF  }
0xb8: {  	_ =	strace $0x90000048  }
0xb9: {  	_ =	sfence  }
0xba: {  	s30 =	sld [smem:$0x0];
	_ =	sdelay $0x2  }
0xbb: {  	s31 =	sshll.u32 s1, $0xD;
	s1 =	sshrl.u32 s1, $0x2  }
0xbc: {  	s3 =	sand.u32 $0x4000, s31;
	s1 =	sadd.s32 s1, s30  }
0xbd: {  	s0 =	sor.u32 s3, s0;
	s1 =	sshll.u32 s1, $0x11  }
0xbe: {  	s0 =	sor.u32 s1, s0  }
0xbf: {  	s0 =	sadd.s32 $0x8F2B, s0  }
0xc0: {  	[sflag:s0] =	ssyncadd.remote.s32 $0x1  }
0xc1: {  	_ =	sfence.sel $0xFFFF  }
0xc2: {  	[dreg:$0x0] =	wrdreg $0xFFFFFFFF;
	(pc) =	sbr.abs _section_cstart, $3  }
0xc3: {  	[dreg:$0x1] =	wrdreg $0xFFFFFFFF  }
0xc4: {  	_ =	task.clear_ibuf [dreg:s9], $0x2FFFF;
	_ =	strace $0x9FFFFFFF  }
0xc5: {  	(tm) =	ssettm $0x7FFFFFFF  }
tec
execute0_lowered:
.L_overlay_start_1:
0x0: {  	(tag) =	ssettag $0x1  }
0x1: {  	s1 =	rddreg [dreg:$0x0]  }
0x2: {  	s0 =	rddreg [dreg:$0x2]  }
0x3: {  	s29 =	srdreg.scid;
	s3 =	stileid.u32  }
0x4: {  	s4 =	simm.s32 $0x0;
	s14 =	simm.s32 $0xC;
	s15 =	simm.s32 $0xD  }
0x5: {  	s16 =	simm.s32 $0xE;
	[dreg:$0x4] =	wrdreg s0;
	s0 =	sand.u32 $0x1, s29  }
0x6: {  	s17 =	simm.s32 $0x8;
	s18 =	simm.s32 $0x9;
	s2 =	ssub.s32 $0x2, s0  }
0x7: {  	s3 =	sshll.u32 s3, $0x2;
	s0 =	sshll.u32 s0, $0x1;
	s6 =	sshrl.u32 s2, $0x1  }
0x8: {  	s19 =	simm.s32 $0x0;
	s5 =	sor.u32 s0, s3;
	s30 =	ssub.s32 s2, s6  }
0x9: {  	v2 =	vlaneseq.u32;
	[smem:$0x7FF] =	sst s4;
	s31 =	sshll.u32 s5, $0xF;
	s0 =	smax.u32 s30, $0x1  }
0xa: {  	vm0 =	vmmov $0xffff;
	v1 =	vshrl.u32 v2, $0x3;
	_ =	strace $0x80000047;
	s6 =	sadd.s32 s1, s31;
	[dreg:$0x5] =	wrdreg s0  }
0xb: {  	v0 =	vand.u32 $0x7, v2;
	v2 =	vor.u32 $0x8, v2;
	v1 =	vmul.u32 $0x8, v1;
	s9 =	sadd.s32 $0x100, s6;
	s10 =	sadd.s32 $0x200, s6;
	s11 =	sadd.s32 $0x300, s6  }
.LBB2_1:
0xc: {  	s0 =	rddreg [dreg:$0x1];
	s31 =	simm.s32 $0xF  }
0xd: {  	[tilespmem:s4], [sflag:$0xF] =	stream.linear.gather [hbm4b:s0+s4], $0x80, $0x38;
	[tilespmem:$0x1C080] =	vst v63  }
0xe: {  	_ =	swait.ge [sflag:s31], $0x80  }
0xf: {  	s2 =	simm.s32 $0x0;
	[sflag:s31] =	ssyncset.done $0x0  }
0x10: {  	s3 =	simm.s32 $0x0;
	s0 =	simm.s32 $0x1;
	[sflag:s31] =	ssyncadd.s32 $0xFFFFFF80  }
.LBB2_2:
0x11: {  	v3 =	vld [tilespmem:s2+$0x0];
	_ =	sdelay $0x4  }
0x12: {  	v4 =	vshll.u32 v3, $0x3  }
0x13: {  	v3 =	vand.u32 $0x7, v3;
	v4 =	vand.u32 $0xFFFFFFC0, v4  }
0x14: {  	v3 =	vor.u32 v3, v4  }
0x15: {  	v4 =	vperm.xlane v3, v0;
	_ =	sdelay $0x1  }
0x16: {  	v4 =	vadd.s32 v1, v4;
	_ =	sdelay $0x2  }
0x17: {  	s8 =	sshra.s32 s3, $0x2  }
0x18: {  	s7 =	simm.s32 $0x0;
	s12 =	sadd.s32 $0x80, s8  }
0x19: {  	[tilespmem:s12], [sflag:s0] =	stream.indirect_vreg.gather [hbm4b:s6+s7], $0x80, v4, vm0, $0xb8;
	[tilespmem:$0x1C080] =	vst v63  }
0x1a: {  	s25 =	sadd.s32 $0x880, s8;
	v3 =	vperm.xlane v3, v2  }
0x1b: {  	[tilespmem:s25], [sflag:s0] =	stream.indirect_vreg.gather [hbm4b:s9+s7], $0x80, v4, vm0, $0xb8;
	[tilespmem:$0x1C080] =	vst v63  }
0x1c: {  	s26 =	sadd.s32 $0x1080, s8;
	v3 =	vadd.s32 v1, v3  }
0x1d: {  	[tilespmem:s26], [sflag:s0] =	stream.indirect_vreg.gather [hbm4b:s10+s7], $0x80, v4, vm0, $0xb8;
	[tilespmem:$0x1C080] =	vst v63  }
0x1e: {  	s28 =	sadd.s32 $0x1880, s8  }
0x1f: {  	[tilespmem:s28], [sflag:s0] =	stream.indirect_vreg.gather [hbm4b:s11+s7], $0x80, v4, vm0, $0xb8;
	[tilespmem:$0x1C080] =	vst v63  }
0x20: {  	s29 =	sadd.s32 $0x2080, s8  }
0x21: {  	[tilespmem:s29], [sflag:s0] =	stream.indirect_vreg.gather [hbm4b:s6+s7], $0x80, v3, vm0, $0xb8;
	[tilespmem:$0x1C080] =	vst v63  }
0x22: {  	p0 =	sne.s32 s3, $0x60000;
	s30 =	sadd.s32 $0x2880, s8  }
0x23: {  	[tilespmem:s30], [sflag:s0] =	stream.indirect_vreg.gather [hbm4b:s9+s7], $0x80, v3, vm0, $0xb8;
	[tilespmem:$0x1C080] =	vst v63  }
.Ltmp0:
0x24: {  	s31 =	sadd.s32 $0x3080, s8;
	(pc) =	sbr.rel @p0 .LBB2_2-.Ltmp0, $4  }
0x25: {  	[tilespmem:s31], [sflag:s0] =	stream.indirect_vreg.gather [hbm4b:s10+s7], $0x80, v3, vm0, $0xb8;
	[tilespmem:$0x1C080] =	vst v63  }
0x26: {  	s8 =	sadd.s32 $0x3880, s8  }
0x27: {  	[tilespmem:s8], [sflag:s0] =	stream.indirect_vreg.gather [hbm4b:s11+s7], $0x80, v3, vm0, $0xb8;
	[tilespmem:$0x1C080] =	vst v63  }
0x28: {  	s2 =	sadd.s32 $0x10, s2;
	s3 =	sadd.s32 $0x10000, s3;
	s0 =	sadd.s32 $0x1, s0  }
0x29: {  	s0 =	smul.u32 $0x25, s7;
	_ =	sdelay $0x1  }
0x2a: {  	s0 =	sshrl.u32 s0, $0x8  }
0x2b: {  	s2 =	ssub.s32 $0x0, s0  }
0x2c: {  	s2 =	sand.u32 $0xFE, s2  }
0x2d: {  	s2 =	sshrl.u32 s2, $0x1  }
0x2e: {  	s0 =	sadd.s32 s0, s2  }
0x2f: {  	s0 =	sand.u32 $0xFC, s0  }
0x30: {  	s0 =	sshrl.u32 s0, $0x2  }
0x31: {  	s0 =	smul.u32 $0x7, s0;
	_ =	sdelay $0x1  }
0x32: {  	s0 =	ssub.s32 $0x0, s0  }
0x33: {  	s0 =	sand.u32 $0xFF, s0  }
0x34: {  	s8 =	sadd.s32 $0x0, s5;
	p0 =	por $0x0, $0x0;
	s22 =	sadd.s32 $0x1, s0  }
0x35: {  	s25 =	simm.s32 $0x1C0;
	s24 =	sshll.u32 s8, $0xE;
	_ =	swait.ge [sflag:s22], $0x4000  }
0x36: {  	s26 =	sand.u32 $0xFFFFFE00, s25;
	s23 =	sshll.u32 s0, $0xE;
	s3 =	rddreg [dreg:$0x4]  }
0x37: {  	s0 =	sor.u32 $0x8, s0;
	[sflag:s22] =	ssyncset.done $0x0;
	s2 =	sadd.s32 s3, s24  }
0x38: {  	s7 =	sor.u32 $0x80, s23;
	[sflag:s22] =	ssyncadd.s32 $0xFFFFC000;
	s2 =	sadd.s32 $0x0, s2  }
0x39: {  	[hbm4b:s2+s4] =	stream.linear.scatter [tilespmem:s7], [sflag:s0], $0x4000, $0x38;
	[tilespmem:$0x1C080] =	vst v63  }
0x3a: {  	s2 =	ssub.s32 $0x0, s26;
	_ =	swait.ge @!p0 [sflag:s0], $0x4000  }
0x3b: {  	s3 =	simm.s32 @!p0 $0x7;
	s2 =	sshra.s32 @!p0 s2, $0x2;
	[sflag:s0] =	ssyncset.done @!p0 $0x0  }
0x3c: {  	s3 =	smul.u32 @!p0 $0x25, s3;
	[sflag:s0] =	ssyncadd.s32 @!p0 $0xFFFFC000;
	s0 =	sadd.s32 @!p0 $0x70, s2  }
0x3d: {  	v3 =	vld @!p0 [tilespmem:s0+$0x0]  }
0x3e: {  	s0 =	sshrl.u32 @!p0 s3, $0x8  }
0x3f: {  	s2 =	ssub.s32 @!p0 $0x7, s0  }
0x40: {  	s20 =	simm.s32 $0x1;
	s2 =	sand.u32 @!p0 $0xFE, s2  }
0x41: {  	s8 =	smul.u32 $0x25, s20;
	s2 =	sshrl.u32 @!p0 s2, $0x1  }
0x42: {  	s0 =	sadd.s32 @!p0 s0, s2;
	v4 =	vshll.u32 @!p0 v3, $0x3  }
0x43: {  	s21 =	simm.s32 $0x80;
	v5 =	vlaneseq.u32 @!p0;
	s3 =	sshrl.u32 s8, $0x8;
	s0 =	sand.u32 @!p0 $0xFC, s0;
	v3 =	vand.u32 @!p0 $0x7, v3;
	v4 =	vand.u32 @!p0 $0xFFFFFFC0, v4  }
0x44: {  	s25 =	simm.s32 @!p0 $0x0;
	v6 =	vand.u32 @!p0 $0x7, v5;
	v7 =	vshrl.u32 @!p0 v5, $0x3;
	s12 =	ssub.s32 $0x1, s3;
	s0 =	sshrl.u32 @!p0 s0, $0x2;
	v8 =	vor.u32 @!p0 v3, v4  }
0x45: {  	s23 =	simm.s32 $0x4000;
	s7 =	sand.u32 $0xFE, s12;
	s0 =	smul.u32 @!p0 $0x7, s0;
	v3 =	vmul.u32 @!p0 $0x8, v7;
	v4 =	vperm.xlane @!p0 v8, v6  }
0x46: {  	s24 =	simm.s32 $0x2;
	s22 =	simm.s32 $0x8;
	s7 =	sshrl.u32 s7, $0x1  }
0x47: {  	s2 =	sadd.s32 @!p0 $0x0, s5;
	s3 =	sadd.s32 s3, s7;
	s0 =	ssub.s32 @!p0 $0x7, s0;
	v4 =	vadd.s32 @!p0 v3, v4  }
0x48: {  	s2 =	sshll.u32 @!p0 s2, $0xF;
	s13 =	sand.u32 $0xFC, s3;
	s0 =	sand.u32 @!p0 $0xFF, s0  }
0x49: {  	s29 =	sadd.s32 @!p0 s1, s2;
	s8 =	sshrl.u32 s13, $0x2;
	s30 =	sshll.u32 @!p0 s0, $0xE  }
0x4a: {  	s12 =	sadd.s32 @!p0 $0x100, s29;
	s28 =	sadd.s32 @!p0 $0x1, s0;
	s7 =	sor.u32 @!p0 $0x80, s30  }
0x4b: {  	vm1 =	vmmov @!p0 $0xffff;
	s26 =	sor.u32 @!p0 $0x880, s30;
	s2 =	sor.u32 @!p0 $0x1080, s30;
	s31 =	sor.u32 @!p0 $0x1880, s30  }
0x4c: {  	v5 =	vor.u32 @!p0 $0x8, v5;
	[tilespmem:s7], [sflag:s28] =	stream.indirect_vreg.gather @!p0 [hbm4b:s29+s25], $0x80, v4, vm1, $0xb8;
	[tilespmem:$0x1C080] =	vst v63  }
0x4d: {  	v5 =	vperm.xlane @!p0 v8, v5;
	s0 =	sor.u32 @!p0 $0x2080, s30;
	s3 =	sor.u32 @!p0 $0x2880, s30;
	s7 =	sor.u32 @!p0 $0x3080, s30  }
.LBB2_4:
0x4e: {  	[tilespmem:s26], [sflag:s28] =	stream.indirect_vreg.gather @!p0 [hbm4b:s12+s25], $0x80, v4, vm1, $0xb8;
	[tilespmem:$0x1C080] =	vst v63  }
0x4f: {  	s13 =	sadd.s32 @!p0 $0x200, s29;
	v3 =	vadd.s32 @!p0 v3, v5  }
0x50: {  	[tilespmem:s2], [sflag:s28] =	stream.indirect_vreg.gather @!p0 [hbm4b:s13+s25], $0x80, v4, vm1, $0xb8;
	[tilespmem:$0x1C080] =	vst v63  }
0x51: {  	s2 =	sadd.s32 @!p0 $0x300, s29  }
0x52: {  	[tilespmem:s31], [sflag:s28] =	stream.indirect_vreg.gather @!p0 [hbm4b:s2+s25], $0x80, v4, vm1, $0xb8;
	[tilespmem:$0x1C080] =	vst v63  }
0x53: {  	s8 =	smul.u32 $0x7, s8  }
0x54: {  	[tilespmem:s0], [sflag:s28] =	stream.indirect_vreg.gather @!p0 [hbm4b:s29+s25], $0x80, v3, vm1, $0xb8;
	[tilespmem:$0x1C080] =	vst v63  }
0x55: {  	s0 =	ssub.s32 s20, s8  }
0x56: {  	s0 =	sand.u32 $0xFF, s0  }
0x57: {  	[tilespmem:s3], [sflag:s28] =	stream.indirect_vreg.gather @!p0 [hbm4b:s12+s25], $0x80, v3, vm1, $0xb8;
	[tilespmem:$0x1C080] =	vst v63  }
0x58: {  	s30 =	sor.u32 @!p0 $0x3880, s30;
	s12 =	sadd.s32 $0x1, s0  }
0x59: {  	[tilespmem:s7], [sflag:s28] =	stream.indirect_vreg.gather @!p0 [hbm4b:s13+s25], $0x80, v3, vm1, $0xb8;
	[tilespmem:$0x1C080] =	vst v63  }
0x5a: {  	s7 =	sshll.u32 s0, $0xE;
	s13 =	sshrl.u32 s20, $0x3;
	s0 =	sor.u32 $0x8, s0  }
0x5b: {  	[tilespmem:s30], [sflag:s28] =	stream.indirect_vreg.gather @!p0 [hbm4b:s2+s25], $0x80, v3, vm1, $0xb8;
	[tilespmem:$0x1C080] =	vst v63  }
0x5c: {  	s7 =	sor.u32 $0x80, s7;
	p0 =	sgt.u32 s20, $0x8;
	s25 =	sshll.u32 s13, $0x11  }
0x5d: {  	s2 =	sadd.s32 s5, s13;
	_ =	swait.ge [sflag:s12], $0x4000;
	s13 =	ssub.s32 s23, s25  }
0x5e: {  	s2 =	sshll.u32 s2, $0xE;
	s25 =	sshll.u32 s22, $0x6;
	s8 =	rddreg [dreg:$0x4]  }
0x5f: {  	[sflag:s12] =	ssyncset.done $0x0;
	s3 =	sshrl.u32 s13, $0x3;
	s2 =	sadd.s32 s8, s2  }
0x60: {  	[sflag:s12] =	ssyncadd.s32 $0xFFFFC000;
	s12 =	sand.u32 $0xFFFFFE00, s25;
	s2 =	sadd.s32 s3, s2  }
0x61: {  	[hbm4b:s2+s4] =	stream.linear.scatter [tilespmem:s7], [sflag:s0], $0x4000, $0x38;
	[tilespmem:$0x1C080] =	vst v63  }
0x62: {  	s2 =	ssub.s32 $0x0, s12;
	_ =	swait.ge @!p0 [sflag:s0], $0x4000  }
0x63: {  	s3 =	sadd.s32 @!p0 $0x7, s20;
	s2 =	sshra.s32 @!p0 s2, $0x2;
	[sflag:s0] =	ssyncset.done @!p0 $0x0  }
0x64: {  	v3 =	vlaneseq.u32 @!p0;
	s7 =	smul.u32 @!p0 $0x25, s3;
	s2 =	sadd.s32 @!p0 s2, s21;
	[sflag:s0] =	ssyncadd.s32 @!p0 $0xFFFFC000  }
0x65: {  	v4 =	vand.u32 @!p0 $0x7, v3;
	v5 =	vshrl.u32 @!p0 v3, $0x3;
	v6 =	vor.u32 @!p0 $0x8, v3;
	v3 =	vld @!p0 [tilespmem:s2+$0x0]  }
0x66: {  	s7 =	sshrl.u32 @!p0 s7, $0x8  }
0x67: {  	s2 =	ssub.s32 @!p0 s3, s7  }
0x68: {  	s26 =	smov.u32 s24;
	s24 =	sadd.s32 $0x1, s24;
	s2 =	sand.u32 @!p0 $0xFE, s2  }
0x69: {  	p1 =	sne.s32 s24, $0x10;
	s20 =	smov.u32 s26;
	s2 =	sshrl.u32 @!p0 s2, $0x1  }
0x6a: {  	s22 =	sadd.s32 $0x1, s22;
	s13 =	smul.u32 $0x25, s20;
	s2 =	sadd.s32 @!p0 s7, s2;
	v7 =	vshll.u32 @!p0 v3, $0x3  }
0x6b: {  	s23 =	sadd.s32 $0x4000, s23;
	s0 =	sshrl.u32 @!p0 s3, $0x3;
	s2 =	sand.u32 @!p0 $0xFC, s2;
	v3 =	vand.u32 @!p0 $0x7, v3;
	v7 =	vand.u32 @!p0 $0xFFFFFFC0, v7  }
0x6c: {  	s0 =	sadd.s32 @!p0 s5, s0;
	s7 =	sshrl.u32 s13, $0x8;
	s2 =	sshrl.u32 @!p0 s2, $0x2;
	v7 =	vor.u32 @!p0 v3, v7  }
0x6d: {  	s0 =	sshll.u32 @!p0 s0, $0xF;
	s25 =	ssub.s32 s20, s7;
	s2 =	smul.u32 @!p0 $0x7, s2;
	v3 =	vmul.u32 @!p0 $0x8, v5;
	v4 =	vperm.xlane @!p0 v7, v4  }
0x6e: {  	s21 =	sadd.s32 $0x10, s21;
	s29 =	sadd.s32 @!p0 s1, s0;
	s26 =	sand.u32 $0xFE, s25  }
0x6f: {  	s25 =	simm.s32 @!p0 $0x0;
	s12 =	sshrl.u32 s26, $0x1;
	s2 =	ssub.s32 @!p0 s3, s2;
	v4 =	vadd.s32 @!p0 v3, v4  }
0x70: {  	s3 =	sadd.s32 s7, s12;
	s12 =	sadd.s32 @!p0 $0x100, s29;
	s8 =	sand.u32 @!p0 $0xFF, s2  }
.Ltmp1:
0x71: {  	s13 =	sand.u32 $0xFC, s3;
	s30 =	sshll.u32 @!p0 s8, $0xE;
	(pc) =	sbr.rel @p1 .LBB2_4-.Ltmp1, $4  }
0x72: {  	s28 =	sadd.s32 @!p0 $0x1, s8;
	s8 =	sshrl.u32 s13, $0x2;
	s7 =	sor.u32 @!p0 $0x80, s30  }
0x73: {  	vm1 =	vmmov @!p0 $0xffff;
	s26 =	sor.u32 @!p0 $0x880, s30;
	s2 =	sor.u32 @!p0 $0x1080, s30;
	s31 =	sor.u32 @!p0 $0x1880, s30  }
0x74: {  	[tilespmem:s7], [sflag:s28] =	stream.indirect_vreg.gather @!p0 [hbm4b:s29+s25], $0x80, v4, vm1, $0xb8;
	[tilespmem:$0x1C080] =	vst v63  }
0x75: {  	v5 =	vperm.xlane @!p0 v7, v6;
	s0 =	sor.u32 @!p0 $0x2080, s30;
	s3 =	sor.u32 @!p0 $0x2880, s30;
	s7 =	sor.u32 @!p0 $0x3080, s30  }
0x76: {  	_ =	sdelay $0x3  }
0x77: {  	[tilespmem:s26], [sflag:s28] =	stream.indirect_vreg.gather @!p0 [hbm4b:s12+s25], $0x80, v4, vm1, $0xb8;
	[tilespmem:$0x1C080] =	vst v63  }
0x78: {  	s13 =	sadd.s32 @!p0 $0x200, s29;
	v3 =	vadd.s32 @!p0 v3, v5  }
0x79: {  	[tilespmem:s2], [sflag:s28] =	stream.indirect_vreg.gather @!p0 [hbm4b:s13+s25], $0x80, v4, vm1, $0xb8;
	[tilespmem:$0x1C080] =	vst v63  }
0x7a: {  	s2 =	sadd.s32 @!p0 $0x300, s29  }
0x7b: {  	[tilespmem:s31], [sflag:s28] =	stream.indirect_vreg.gather @!p0 [hbm4b:s2+s25], $0x80, v4, vm1, $0xb8;
	[tilespmem:$0x1C080] =	vst v63  }
0x7c: {  	_ = 	snop  }
0x7d: {  	[tilespmem:s0], [sflag:s28] =	stream.indirect_vreg.gather @!p0 [hbm4b:s29+s25], $0x80, v3, vm1, $0xb8;
	[tilespmem:$0x1C080] =	vst v63  }
0x7e: {  	_ = 	snop  }
0x7f: {  	[tilespmem:s3], [sflag:s28] =	stream.indirect_vreg.gather @!p0 [hbm4b:s12+s25], $0x80, v3, vm1, $0xb8;
	[tilespmem:$0x1C080] =	vst v63  }
0x80: {  	s26 =	sshll.u32 s22, $0x6;
	s31 =	smul.u32 $0x7, s8  }
0x81: {  	[tilespmem:s7], [sflag:s28] =	stream.indirect_vreg.gather @!p0 [hbm4b:s13+s25], $0x80, v3, vm1, $0xb8;
	[tilespmem:$0x1C080] =	vst v63  }
0x82: {  	s0 =	sor.u32 @!p0 $0x3880, s30;
	s12 =	sshrl.u32 s20, $0x3;
	s7 =	ssub.s32 s20, s31  }
0x83: {  	[tilespmem:s0], [sflag:s28] =	stream.indirect_vreg.gather @!p0 [hbm4b:s2+s25], $0x80, v3, vm1, $0xb8;
	[tilespmem:$0x1C080] =	vst v63  }
0x84: {  	s24 =	sshll.u32 s12, $0x11;
	s3 =	sadd.s32 s5, s12;
	s0 =	sand.u32 $0xFF, s7  }
0x85: {  	s3 =	sshll.u32 s3, $0xE;
	s2 =	ssub.s32 s23, s24;
	s8 =	sadd.s32 $0x1, s0  }
0x86: {  	p0 =	sgt.u32 s20, $0x8;
	s28 =	sand.u32 $0xFFFFFE00, s26;
	_ =	swait.ge [sflag:s8], $0x4000  }
0x87: {  	s25 =	sshll.u32 s0, $0xE;
	s0 =	sor.u32 $0x8, s0;
	s13 =	rddreg [dreg:$0x4]  }
0x88: {  	s2 =	sshrl.u32 s2, $0x3;
	[sflag:s8] =	ssyncset.done $0x0;
	s3 =	sadd.s32 s13, s3  }
0x89: {  	[sflag:s8] =	ssyncadd.s32 $0xFFFFC000;
	s8 =	sor.u32 $0x80, s25;
	s2 =	sadd.s32 s2, s3  }
0x8a: {  	[hbm4b:s2+s4] =	stream.linear.scatter [tilespmem:s8], [sflag:s0], $0x4000, $0x38;
	[tilespmem:$0x1C080] =	vst v63  }
0x8b: {  	s2 =	ssub.s32 $0x0, s28;
	_ =	swait.ge @!p0 [sflag:s0], $0x4000  }
0x8c: {  	s2 =	sshra.s32 @!p0 s2, $0x2;
	[sflag:s0] =	ssyncset.done @!p0 $0x0  }
0x8d: {  	s3 =	sadd.s32 @!p0 $0x7, s20;
	[sflag:s0] =	ssyncadd.s32 @!p0 $0xFFFFC000;
	s0 =	sadd.s32 @!p0 s2, s21  }
0x8e: {  	s2 =	smul.u32 @!p0 $0x25, s3;
	v3 =	vld @!p0 [tilespmem:s0+$0x0];
	_ =	sdelay $0x1  }
0x8f: {  	s0 =	sshrl.u32 @!p0 s2, $0x8  }
0x90: {  	s2 =	ssub.s32 @!p0 s3, s0  }
0x91: {  	s2 =	sand.u32 @!p0 $0xFE, s2  }
0x92: {  	s2 =	sshrl.u32 @!p0 s2, $0x1;
	v4 =	vshll.u32 @!p0 v3, $0x3  }
0x93: {  	v5 =	vlaneseq.u32 @!p0;
	s0 =	sadd.s32 @!p0 s0, s2;
	v3 =	vand.u32 @!p0 $0x7, v3;
	v4 =	vand.u32 @!p0 $0xFFFFFFC0, v4  }
0x94: {  	v6 =	vand.u32 @!p0 $0x7, v5;
	v7 =	vshrl.u32 @!p0 v5, $0x3;
	s0 =	sand.u32 @!p0 $0xFC, s0;
	v3 =	vor.u32 @!p0 v3, v4  }
0x95: {  	s0 =	sshrl.u32 @!p0 s0, $0x2;
	v4 =	vperm.xlane @!p0 v3, v6;
	v6 =	vmul.u32 @!p0 $0x8, v7  }
0x96: {  	s0 =	smul.u32 @!p0 $0x7, s0  }
0x97: {  	s2 =	sshrl.u32 @!p0 s3, $0x3;
	v4 =	vadd.s32 @!p0 v6, v4  }
0x98: {  	s2 =	sadd.s32 @!p0 s5, s2;
	s0 =	ssub.s32 @!p0 s3, s0  }
0x99: {  	s2 =	sshll.u32 @!p0 s2, $0xF;
	s0 =	sand.u32 @!p0 $0xFF, s0  }
0x9a: {  	s2 =	sadd.s32 @!p0 s1, s2;
	s7 =	sshll.u32 @!p0 s0, $0xE  }
0x9b: {  	vm1 =	vmmov @!p0 $0xffff;
	s3 =	simm.s32 @!p0 $0x0;
	s0 =	sadd.s32 @!p0 $0x1, s0;
	s8 =	sor.u32 @!p0 $0x80, s7  }
0x9c: {  	v5 =	vor.u32 @!p0 $0x8, v5;
	[tilespmem:s8], [sflag:s0] =	stream.indirect_vreg.gather @!p0 [hbm4b:s2+s3], $0x80, v4, vm1, $0xb8;
	[tilespmem:$0x1C080] =	vst v63  }
0x9d: {  	v3 =	vperm.xlane @!p0 v3, v5;
	s12 =	sadd.s32 @!p0 $0x100, s2;
	s8 =	sor.u32 @!p0 $0x880, s7  }
0x9e: {  	[tilespmem:s8], [sflag:s0] =	stream.indirect_vreg.gather @!p0 [hbm4b:s12+s3], $0x80, v4, vm1, $0xb8;
	[tilespmem:$0x1C080] =	vst v63  }
0x9f: {  	s13 =	sadd.s32 @!p0 $0x200, s2;
	v3 =	vadd.s32 @!p0 v6, v3;
	s8 =	sor.u32 @!p0 $0x1080, s7  }
0xa0: {  	[tilespmem:s8], [sflag:s0] =	stream.indirect_vreg.gather @!p0 [hbm4b:s13+s3], $0x80, v4, vm1, $0xb8;
	[tilespmem:$0x1C080] =	vst v63  }
0xa1: {  	s20 =	sadd.s32 @!p0 $0x300, s2;
	s8 =	sor.u32 @!p0 $0x1880, s7  }
0xa2: {  	[tilespmem:s8], [sflag:s0] =	stream.indirect_vreg.gather @!p0 [hbm4b:s20+s3], $0x80, v4, vm1, $0xb8;
	[tilespmem:$0x1C080] =	vst v63  }
0xa3: {  	s8 =	sor.u32 @!p0 $0x2080, s7  }
0xa4: {  	[tilespmem:s8], [sflag:s0] =	stream.indirect_vreg.gather @!p0 [hbm4b:s2+s3], $0x80, v3, vm1, $0xb8;
	[tilespmem:$0x1C080] =	vst v63  }
0xa5: {  	s2 =	sor.u32 @!p0 $0x2880, s7  }
0xa6: {  	[tilespmem:s2], [sflag:s0] =	stream.indirect_vreg.gather @!p0 [hbm4b:s12+s3], $0x80, v3, vm1, $0xb8;
	[tilespmem:$0x1C080] =	vst v63  }
0xa7: {  	s2 =	sor.u32 @!p0 $0x3080, s7  }
0xa8: {  	[tilespmem:s2], [sflag:s0] =	stream.indirect_vreg.gather @!p0 [hbm4b:s13+s3], $0x80, v3, vm1, $0xb8;
	[tilespmem:$0x1C080] =	vst v63  }
0xa9: {  	s29 =	simm.s32 $0xA;
	s2 =	sor.u32 @!p0 $0x3880, s7  }
0xaa: {  	[tilespmem:s2], [sflag:s0] =	stream.indirect_vreg.gather @!p0 [hbm4b:s20+s3], $0x80, v3, vm1, $0xb8;
	[tilespmem:$0x1C080] =	vst v63  }
0xab: {  	_ =	swait.ge [sflag:s29], $0x4000  }
0xac: {  	[sflag:s29] =	ssyncset.done $0x0  }
0xad: {  	s30 =	simm.s32 $0xB;
	[sflag:s29] =	ssyncadd.s32 $0xFFFFC000  }
0xae: {  	_ =	swait.ge [sflag:s30], $0x4000  }
0xaf: {  	[sflag:s30] =	ssyncset.done $0x0  }
0xb0: {  	[sflag:s30] =	ssyncadd.s32 $0xFFFFC000  }
0xb1: {  	_ =	swait.ge [sflag:s14], $0x4000  }
0xb2: {  	[sflag:s14] =	ssyncset.done $0x0  }
0xb3: {  	[sflag:s14] =	ssyncadd.s32 $0xFFFFC000  }
0xb4: {  	_ =	swait.ge [sflag:s15], $0x4000  }
0xb5: {  	[sflag:s15] =	ssyncset.done $0x0  }
0xb6: {  	[sflag:s15] =	ssyncadd.s32 $0xFFFFC000  }
0xb7: {  	_ =	swait.ge [sflag:s16], $0x4000  }
0xb8: {  	[sflag:s16] =	ssyncset.done $0x0  }
0xb9: {  	[sflag:s16] =	ssyncadd.s32 $0xFFFFC000  }
0xba: {  	_ =	swait.ge [sflag:s17], $0x4000  }
0xbb: {  	[sflag:s17] =	ssyncset.done $0x0  }
0xbc: {  	[sflag:s17] =	ssyncadd.s32 $0xFFFFC000  }
0xbd: {  	_ =	swait.ge [sflag:s18], $0x4000  }
0xbe: {  	s19 =	sadd.s32 $0x1, s19;
	s31 =	rddreg [dreg:$0x5]  }
0xbf: {  	p0 =	sne.s32 s19, s31  }
.Ltmp2:
0xc0: {  	_ = 	snop;
	(pc) =	sbr.rel @p0 .LBB2_1-.Ltmp2, $3  }
0xc1: {  	_ =	sdelay $0x1  }
0xc2: {  	[sflag:s18] =	ssyncset.done $0x0  }
0xc3: {  	[sflag:s18] =	ssyncadd.s32 $0xFFFFC000  }
0xc4: {  	_ =	sfence.sel $0x180000  }
0xc5: {  	[bflag:$0x0] =	sbarrier.arrive $0xFFFF  }
0xc6: {  	_ =	strace $0x90000047  }
0xc7: {  	s0 =	stileid.u32;
	[bflag:$0x2] =	sbarrier.arrive $0xFFFF  }
0xc8: {  	p0 =	sne.s32 s0, $0x0;
	s0 =	rddreg [dreg:$0x3]  }
0xc9: {  	s0 =	sadd.s32 @!p0 $0x100000, s0  }
0xca: {  	[sflag:s0] =	ssyncadd.tile.s32 @!p0 $0x1;
	_ =	shalt  }
.Lfunc_end2:
_tile_overlayer_lowered:
.L_overlay_start_2:
0xcb: {  	(tag) =	ssettag $0x2  }
0xcc: {  	s0 =	rddreg [dreg:$0x0];
	s2 =	stileid.u32  }
0xcd: {  	s1 =	rddreg [dreg:$0x1];
	p0 =	sne.s32 s2, $0x0  }
0xce: {  	s3 =	rddreg [dreg:$0x2];
	[bflag:$0x3] =	sbarrier.arrive $0xFFFF;
	s2 =	simm.s32 @!p0 $0x1C0F  }
0xcf: {  	[timem:s3], [sflag:s2] =	dma.local @!p0 [hbm:s0], s1  }
0xd0: {  	s0 =	simm.s32 @!p0 $0xF  }
0xd1: {  	_ =	swait.ge @!p0 [sflag:s0], s1  }
0xd2: {  	s1 =	ssub.s32 @!p0 $0x0, s1;
	[sflag:s0] =	ssyncset.done @!p0 $0x0  }
0xd3: {  	[sflag:s0] =	ssyncadd.s32 @!p0 s1  }
0xd4: {  	[bflag:$0x3] =	sbarrier.arrive $0xFFFF  }
0xd5: {  	_ =	shalt  }

</sc_bundles>
